<compile_context>
chip_gen: v7x
topology: tpu7x:2x2x1
jax: 0.10.2.dev20260603
libtpu: 0.0.44.dev20260713+nightly
codegen_flags: <defaults>
</compile_context>

<pallas_src>
import jax
import jax.numpy as jnp
from jax import lax
from jax.experimental import pallas as pl
from jax.experimental.pallas import tpu as pltpu
from jax.experimental.pallas import tpu_sc as plsc

VOCAB = 100000
MAX_SEQ_LEN = 512
DIM = 128
B, L = 4096, 200

_INFO = plsc.get_sparse_core_info()
_NC, _NS = _INFO.num_cores, _INFO.num_subcores
_NW = _NC * _NS

_N_ROWS = B * L
_ROWS_PER_W = _N_ROWS // _NW
_CHUNK = 128
_N_CHUNKS = _ROWS_PER_W // _CHUNK
_NBUF = 4
_N_GROUPS = _N_CHUNKS // _NBUF


def _gather_kernel(table_hbm, ids_hbm, out_hbm, idx_v, rows_v, *sems):
    wid = lax.axis_index("s") * _NC + lax.axis_index("c")
    row0 = wid * _ROWS_PER_W
    chunk0 = wid * _N_CHUNKS

    pltpu.sync_copy(ids_hbm.at[pl.ds(chunk0, _N_CHUNKS)], idx_v)

    gin = sems[:_NBUF]
    gout = sems[_NBUF:]

    def start(j, b):
        pltpu.async_copy(table_hbm.at[idx_v.at[j]], rows_v.at[b], gin[b])

    def wait(j, b):
        pltpu.make_async_copy(table_hbm.at[idx_v.at[j]], rows_v.at[b],
                              gin[b]).wait()

    def start_out(j, b):
        pltpu.async_copy(rows_v.at[b],
                         out_hbm.at[pl.ds(row0 + j * _CHUNK, _CHUNK)],
                         gout[b])

    def wait_out(j, b):
        pltpu.make_async_copy(rows_v.at[b],
                              out_hbm.at[pl.ds(row0 + j * _CHUNK, _CHUNK)],
                              gout[b]).wait()

    for b in range(_NBUF):
        start(b, b)

    def body(g, carry):
        for b in range(_NBUF):
            j = g * _NBUF + b
            wait(j, b)
            start_out(j, b)
        for b in range(_NBUF):
            j = g * _NBUF + b
            jn = j + _NBUF
            wait_out(j, b)

            @pl.when(jn < _N_CHUNKS)
            def _():
                start(jn, b)
        return carry

    lax.fori_loop(0, _N_GROUPS, body, 0)


def _token_gather(ids_2d, W_word):
    mesh = plsc.VectorSubcoreMesh(core_axis_name="c", subcore_axis_name="s")
    return pl.kernel(
        _gather_kernel,
        mesh=mesh,
        out_type=jax.ShapeDtypeStruct((_N_ROWS, DIM), jnp.float32),
        scratch_types=[
            pltpu.VMEM((_N_CHUNKS, _CHUNK), jnp.int32),
            pltpu.VMEM((_NBUF, _CHUNK, DIM), jnp.float32),
        ] + [pltpu.SemaphoreType.DMA] * (2 * _NBUF),
    )(W_word, ids_2d)


_POS_BLK = 16


def _pos_kernel(pos_ref, out_ref):
    out_ref[...] = jnp.broadcast_to(pos_ref[...][None], out_ref.shape)


def _pos_broadcast(W_pos_l):
    return pl.pallas_call(
        _pos_kernel,
        grid=(B // _POS_BLK,),
        in_specs=[pl.BlockSpec((L, DIM), lambda i: (0, 0))],
        out_specs=pl.BlockSpec((_POS_BLK, L, DIM), lambda i: (i, 0, 0)),
        out_shape=jax.ShapeDtypeStruct((B, L, DIM), jnp.float32),
    )(W_pos_l)


def kernel(input_ids, W_word, W_pos):
    ids_2d = input_ids.astype(jnp.int32).reshape(_N_ROWS // _CHUNK, _CHUNK)
    X_token = _token_gather(ids_2d, W_word).reshape(B, L, DIM)
    X_pos = _pos_broadcast(W_pos[:L])
    return (X_token, X_pos)

# --- scband reference (transcript-rebuilt; emitter-appended) ---
"""Pipeline reference for scband-embeddings-53541062312199 (READ-ONLY COPY).

The authoritative reference and input builder live on the scoring server;
editing this copy changes nothing except your own understanding.
"""

import jax, jax.numpy as jnp
import numpy as np

VOCAB = 100000
MAX_SEQ_LEN = 512
DIM = 128
B, L = 4096, 200

def setup_inputs(seed: int = 0) -> dict:
    key = jax.random.key(seed)
    k1, k2, k3 = jax.random.split(key, 3)
    input_ids = jax.random.randint(k1, (B, L), 0, VOCAB)
    W_word = jax.random.normal(k2, (VOCAB, DIM), dtype=jnp.float32) * 0.02
    W_pos = jax.random.normal(k3, (MAX_SEQ_LEN, DIM), dtype=jnp.float32) * 0.02
    return {"input_ids": input_ids, "W_word": W_word, "W_pos": W_pos}

def reference(input_ids, W_word, W_pos):
    batch_size, seq_len = input_ids.shape
    # word embedding lookup (gather)
    X_token = jnp.take(W_word, input_ids, axis=0)
    # position ids: arange broadcast to (B, L)
    position_ids = jnp.broadcast_to(jnp.arange(seq_len, dtype=jnp.int32)[None, :], (batch_size, seq_len))
    X_pos = jnp.take(W_pos, position_ids, axis=0)
    return (X_token, X_pos)

if __name__ == "__main__":
    import jax
    _d = setup_inputs()
    print(jax.jit(kernel)(*tuple(_d.values())))

</pallas_src>

<mosaic_0001>
#map = affine_map<(d0, d1) -> (0, 0)>
module attributes {stable_mosaic.version = 14 : i64} {
  func.func @_gather_kernel(%arg0: i32, %arg1: i32, %arg2: memref<100000x128xf32, #tpu.memory_space<hbm>>, %arg3: memref<6400x128xi32, #tpu.memory_space<hbm>>, %arg4: memref<819200x128xf32, #tpu.memory_space<hbm>>, %arg5: memref<200x128xi32, #tpu.memory_space<vmem>>, %arg6: memref<4x128x128xf32, #tpu.memory_space<vmem>>, %arg7: memref<!tpu.dma_semaphore, #tpu.memory_space<semaphore_mem>>, %arg8: memref<!tpu.dma_semaphore, #tpu.memory_space<semaphore_mem>>, %arg9: memref<!tpu.dma_semaphore, #tpu.memory_space<semaphore_mem>>, %arg10: memref<!tpu.dma_semaphore, #tpu.memory_space<semaphore_mem>>, %arg11: memref<!tpu.dma_semaphore, #tpu.memory_space<semaphore_mem>>, %arg12: memref<!tpu.dma_semaphore, #tpu.memory_space<semaphore_mem>>, %arg13: memref<!tpu.dma_semaphore, #tpu.memory_space<semaphore_mem>>, %arg14: memref<!tpu.dma_semaphore, #tpu.memory_space<semaphore_mem>>) attributes {dimension_semantics = [#tpu.dimension_semantics<core_parallel>, #tpu.dimension_semantics<subcore_parallel>], iteration_bounds = array<i64: 2, 16>, scalar_prefetch = 0 : i64, scratch_operands = 10 : i64, tpu.core_type = #tpu.core_type<sc_vector_subcore>, window_params = [{transform_indices = #map}, {transform_indices = #map}, {transform_indices = #map}]} {
    %mul3A = arith.constant 2 : i32
    %mul3A_0 = arith.muli %arg1, %mul3A : i32
    %add3A = arith.addi %mul3A_0, %arg0 : i32
    %mul3A_1 = arith.constant 25600 : i32
    %mul3A_2 = arith.muli %add3A, %mul3A_1 : i32
    %mul3A_3 = arith.constant 200 : i32
    %mul3A_4 = arith.muli %add3A, %mul3A_3 : i32
    "tpu.region"() ({
      %run_scoped3A = tpu.sem_alloc : memref<!tpu.dma_semaphore, #tpu.memory_space<semaphore_mem>>
      %dma_start3A_57 = arith.constant 0 : i32
      %dma_start3A_58 = tpu.memref_slice %arg3[%mul3A_4, %dma_start3A_57] : memref<6400x128xi32, #tpu.memory_space<hbm>> -> memref<200x128xi32, #tpu.memory_space<hbm>>
      %dma_start3A_59 = arith.constant 0 : i32
      %dma_start3A_60 = tpu.memref_slice %arg3[%mul3A_4, %dma_start3A_59] : memref<6400x128xi32, #tpu.memory_space<hbm>> -> memref<200x128xi32, #tpu.memory_space<hbm>>
      tpu.enqueue_dma source(%dma_start3A_60 : memref<200x128xi32, #tpu.memory_space<hbm>>) target(%arg5 : memref<200x128xi32, #tpu.memory_space<vmem>>) target_semaphore(%run_scoped3A : memref<!tpu.dma_semaphore, #tpu.memory_space<semaphore_mem>>)
      %dma_wait3A = arith.constant 0 : i32
      %dma_wait3A_61 = tpu.memref_slice %arg3[%mul3A_4, %dma_wait3A] : memref<6400x128xi32, #tpu.memory_space<hbm>> -> memref<200x128xi32, #tpu.memory_space<hbm>>
      %dma_wait3A_62 = arith.constant 0 : i32
      %dma_wait3A_63 = tpu.memref_slice %arg3[%mul3A_4, %dma_wait3A_62] : memref<6400x128xi32, #tpu.memory_space<hbm>> -> memref<200x128xi32, #tpu.memory_space<hbm>>
      tpu.wait_dma2 semaphore(%run_scoped3A : memref<!tpu.dma_semaphore, #tpu.memory_space<semaphore_mem>>) src(%dma_wait3A_63 : memref<200x128xi32, #tpu.memory_space<hbm>>) dst(%arg5 : memref<200x128xi32, #tpu.memory_space<vmem>>)
      tpu.yield
    }) : () -> ()
    %dma_start3A = arith.constant 0 : i32
    %dma_start3A_5 = arith.constant 0 : i32
    %dma_start3A_6 = arith.constant 0 : i32
    %dma_start3A_7 = arith.constant 0 : i32
    %dma_start3A_8 = tpu.memref_slice %arg6[%dma_start3A_5, %dma_start3A_6, %dma_start3A_7] : memref<4x128x128xf32, #tpu.memory_space<vmem>> -> memref<1x128x128xf32, #tpu.memory_space<vmem>>
    %dma_start3A_9 = tpu.memref_squeeze %dma_start3A_8 : memref<1x128x128xf32, #tpu.memory_space<vmem>> -> memref<128x128xf32, #tpu.memory_space<vmem>>
    %dma_start3A_10 = arith.constant 0 : i32
    %dma_start3A_11 = tpu.memref_slice %arg5[%dma_start3A, %dma_start3A_10] : memref<200x128xi32, #tpu.memory_space<vmem>> -> memref<1x128xi32, #tpu.memory_space<vmem>>
    %dma_start3A_12 = tpu.memref_squeeze %dma_start3A_11 : memref<1x128xi32, #tpu.memory_space<vmem>> -> memref<128xi32, #tpu.memory_space<vmem>>
    %dma_start3A_13 = arith.constant 0 : i32
    %dma_start3A_14 = arith.constant 0 : i32
    %dma_start3A_15 = tpu.memref_slice %arg2[%dma_start3A_13, %dma_start3A_14] : memref<100000x128xf32, #tpu.memory_space<hbm>> -> memref<100000x128xf32, #tpu.memory_space<hbm>>
    tpu.enqueue_indirect_dma source(%dma_start3A_15 : memref<100000x128xf32, #tpu.memory_space<hbm>>) target(%dma_start3A_9 : memref<128x128xf32, #tpu.memory_space<vmem>>) offsets(%dma_start3A_12 : memref<128xi32, #tpu.memory_space<vmem>>) semaphore(%arg7 : memref<!tpu.dma_semaphore, #tpu.memory_space<semaphore_mem>>)
    %dma_start3A_16 = arith.constant 1 : i32
    %dma_start3A_17 = arith.constant 1 : i32
    %dma_start3A_18 = arith.constant 0 : i32
    %dma_start3A_19 = arith.constant 0 : i32
    %dma_start3A_20 = tpu.memref_slice %arg6[%dma_start3A_17, %dma_start3A_18, %dma_start3A_19] : memref<4x128x128xf32, #tpu.memory_space<vmem>> -> memref<1x128x128xf32, #tpu.memory_space<vmem>>
    %dma_start3A_21 = tpu.memref_squeeze %dma_start3A_20 : memref<1x128x128xf32, #tpu.memory_space<vmem>> -> memref<128x128xf32, #tpu.memory_space<vmem>>
    %dma_start3A_22 = arith.constant 0 : i32
    %dma_start3A_23 = tpu.memref_slice %arg5[%dma_start3A_16, %dma_start3A_22] : memref<200x128xi32, #tpu.memory_space<vmem>> -> memref<1x128xi32, #tpu.memory_space<vmem>>
    %dma_start3A_24 = tpu.memref_squeeze %dma_start3A_23 : memref<1x128xi32, #tpu.memory_space<vmem>> -> memref<128xi32, #tpu.memory_space<vmem>>
    %dma_start3A_25 = arith.constant 0 : i32
    %dma_start3A_26 = arith.constant 0 : i32
    %dma_start3A_27 = tpu.memref_slice %arg2[%dma_start3A_25, %dma_start3A_26] : memref<100000x128xf32, #tpu.memory_space<hbm>> -> memref<100000x128xf32, #tpu.memory_space<hbm>>
    tpu.enqueue_indirect_dma source(%dma_start3A_27 : memref<100000x128xf32, #tpu.memory_space<hbm>>) target(%dma_start3A_21 : memref<128x128xf32, #tpu.memory_space<vmem>>) offsets(%dma_start3A_24 : memref<128xi32, #tpu.memory_space<vmem>>) semaphore(%arg8 : memref<!tpu.dma_semaphore, #tpu.memory_space<semaphore_mem>>)
    %dma_start3A_28 = arith.constant 2 : i32
    %dma_start3A_29 = arith.constant 2 : i32
    %dma_start3A_30 = arith.constant 0 : i32
    %dma_start3A_31 = arith.constant 0 : i32
    %dma_start3A_32 = tpu.memref_slice %arg6[%dma_start3A_29, %dma_start3A_30, %dma_start3A_31] : memref<4x128x128xf32, #tpu.memory_space<vmem>> -> memref<1x128x128xf32, #tpu.memory_space<vmem>>
    %dma_start3A_33 = tpu.memref_squeeze %dma_start3A_32 : memref<1x128x128xf32, #tpu.memory_space<vmem>> -> memref<128x128xf32, #tpu.memory_space<vmem>>
    %dma_start3A_34 = arith.constant 0 : i32
    %dma_start3A_35 = tpu.memref_slice %arg5[%dma_start3A_28, %dma_start3A_34] : memref<200x128xi32, #tpu.memory_space<vmem>> -> memref<1x128xi32, #tpu.memory_space<vmem>>
    %dma_start3A_36 = tpu.memref_squeeze %dma_start3A_35 : memref<1x128xi32, #tpu.memory_space<vmem>> -> memref<128xi32, #tpu.memory_space<vmem>>
    %dma_start3A_37 = arith.constant 0 : i32
    %dma_start3A_38 = arith.constant 0 : i32
    %dma_start3A_39 = tpu.memref_slice %arg2[%dma_start3A_37, %dma_start3A_38] : memref<100000x128xf32, #tpu.memory_space<hbm>> -> memref<100000x128xf32, #tpu.memory_space<hbm>>
    tpu.enqueue_indirect_dma source(%dma_start3A_39 : memref<100000x128xf32, #tpu.memory_space<hbm>>) target(%dma_start3A_33 : memref<128x128xf32, #tpu.memory_space<vmem>>) offsets(%dma_start3A_36 : memref<128xi32, #tpu.memory_space<vmem>>) semaphore(%arg9 : memref<!tpu.dma_semaphore, #tpu.memory_space<semaphore_mem>>)
    %dma_start3A_40 = arith.constant 3 : i32
    %dma_start3A_41 = arith.constant 3 : i32
    %dma_start3A_42 = arith.constant 0 : i32
    %dma_start3A_43 = arith.constant 0 : i32
    %dma_start3A_44 = tpu.memref_slice %arg6[%dma_start3A_41, %dma_start3A_42, %dma_start3A_43] : memref<4x128x128xf32, #tpu.memory_space<vmem>> -> memref<1x128x128xf32, #tpu.memory_space<vmem>>
    %dma_start3A_45 = tpu.memref_squeeze %dma_start3A_44 : memref<1x128x128xf32, #tpu.memory_space<vmem>> -> memref<128x128xf32, #tpu.memory_space<vmem>>
    %dma_start3A_46 = arith.constant 0 : i32
    %dma_start3A_47 = tpu.memref_slice %arg5[%dma_start3A_40, %dma_start3A_46] : memref<200x128xi32, #tpu.memory_space<vmem>> -> memref<1x128xi32, #tpu.memory_space<vmem>>
    %dma_start3A_48 = tpu.memref_squeeze %dma_start3A_47 : memref<1x128xi32, #tpu.memory_space<vmem>> -> memref<128xi32, #tpu.memory_space<vmem>>
    %dma_start3A_49 = arith.constant 0 : i32
    %dma_start3A_50 = arith.constant 0 : i32
    %dma_start3A_51 = tpu.memref_slice %arg2[%dma_start3A_49, %dma_start3A_50] : memref<100000x128xf32, #tpu.memory_space<hbm>> -> memref<100000x128xf32, #tpu.memory_space<hbm>>
    tpu.enqueue_indirect_dma source(%dma_start3A_51 : memref<100000x128xf32, #tpu.memory_space<hbm>>) target(%dma_start3A_45 : memref<128x128xf32, #tpu.memory_space<vmem>>) offsets(%dma_start3A_48 : memref<128xi32, #tpu.memory_space<vmem>>) semaphore(%arg10 : memref<!tpu.dma_semaphore, #tpu.memory_space<semaphore_mem>>)
    %scan3A = arith.constant 0 : i32
    %scan3A_52 = arith.constant 0 : i32
    %scan3A_53 = arith.constant 50 : i32
    %scan3A_54 = arith.addi %scan3A_52, %scan3A_53 : i32
    %scan3A_55 = arith.constant 1 : i32
    scf.for %scan3A_57 = %scan3A_52 to %scan3A_54 step %scan3A_55  : i32 {
      %mul3A_58 = arith.constant 4 : i32
      %mul3A_59 = arith.muli %scan3A_57, %mul3A_58 : i32
      %add3A_60 = arith.constant 0 : i32
      %add3A_61 = arith.addi %mul3A_59, %add3A_60 : i32
      %dma_wait3A = arith.constant 0 : i32
      %dma_wait3A_62 = arith.constant 0 : i32
      %dma_wait3A_63 = arith.constant 0 : i32
      %dma_wait3A_64 = tpu.memref_slice %arg6[%dma_wait3A, %dma_wait3A_62, %dma_wait3A_63] : memref<4x128x128xf32, #tpu.memory_space<vmem>> -> memref<1x128x128xf32, #tpu.memory_space<vmem>>
      %dma_wait3A_65 = tpu.memref_squeeze %dma_wait3A_64 : memref<1x128x128xf32, #tpu.memory_space<vmem>> -> memref<128x128xf32, #tpu.memory_space<vmem>>
      %dma_wait3A_66 = arith.constant 0 : i32
      %dma_wait3A_67 = tpu.memref_slice %arg5[%add3A_61, %dma_wait3A_66] : memref<200x128xi32, #tpu.memory_space<vmem>> -> memref<1x128xi32, #tpu.memory_space<vmem>>
      %dma_wait3A_68 = tpu.memref_squeeze %dma_wait3A_67 : memref<1x128xi32, #tpu.memory_space<vmem>> -> memref<128xi32, #tpu.memory_space<vmem>>
      %dma_wait3A_69 = arith.constant 0 : i32
      %dma_wait3A_70 = arith.constant 0 : i32
      %dma_wait3A_71 = tpu.memref_slice %arg2[%dma_wait3A_69, %dma_wait3A_70] : memref<100000x128xf32, #tpu.memory_space<hbm>> -> memref<100000x128xf32, #tpu.memory_space<hbm>>
      tpu.wait_indirect_dma semaphore(%arg7 : memref<!tpu.dma_semaphore, #tpu.memory_space<semaphore_mem>>) src(%dma_wait3A_71 : memref<100000x128xf32, #tpu.memory_space<hbm>>) dst(%dma_wait3A_65 : memref<128x128xf32, #tpu.memory_space<vmem>>)
      %mul3A_72 = arith.constant 128 : i32
      %mul3A_73 = arith.muli %add3A_61, %mul3A_72 : i32
      %add3A_74 = arith.addi %mul3A_2, %mul3A_73 : i32
      %dma_start3A_75 = arith.constant 0 : i32
      %dma_start3A_76 = arith.constant 0 : i32
      %dma_start3A_77 = arith.constant 0 : i32
      %dma_start3A_78 = tpu.memref_slice %arg6[%dma_start3A_75, %dma_start3A_76, %dma_start3A_77] : memref<4x128x128xf32, #tpu.memory_space<vmem>> -> memref<1x128x128xf32, #tpu.memory_space<vmem>>
      %dma_start3A_79 = tpu.memref_squeeze %dma_start3A_78 : memref<1x128x128xf32, #tpu.memory_space<vmem>> -> memref<128x128xf32, #tpu.memory_space<vmem>>
      %dma_start3A_80 = arith.constant 0 : i32
      %dma_start3A_81 = tpu.memref_slice %arg4[%add3A_74, %dma_start3A_80] : memref<819200x128xf32, #tpu.memory_space<hbm>> -> memref<128x128xf32, #tpu.memory_space<hbm>>
      %dma_start3A_82 = arith.constant 0 : i32
      %dma_start3A_83 = tpu.memref_slice %arg4[%add3A_74, %dma_start3A_82] : memref<819200x128xf32, #tpu.memory_space<hbm>> -> memref<128x128xf32, #tpu.memory_space<hbm>>
      %dma_start3A_84 = arith.constant 0 : i32
      %dma_start3A_85 = arith.constant 0 : i32
      %dma_start3A_86 = tpu.memref_slice %arg6[%dma_start3A_75, %dma_start3A_84, %dma_start3A_85] : memref<4x128x128xf32, #tpu.memory_space<vmem>> -> memref<1x128x128xf32, #tpu.memory_space<vmem>>
      %dma_start3A_87 = tpu.memref_squeeze %dma_start3A_86 : memref<1x128x128xf32, #tpu.memory_space<vmem>> -> memref<128x128xf32, #tpu.memory_space<vmem>>
      tpu.enqueue_dma source(%dma_start3A_87 : memref<128x128xf32, #tpu.memory_space<vmem>>) target(%dma_start3A_83 : memref<128x128xf32, #tpu.memory_space<hbm>>) target_semaphore(%arg11 : memref<!tpu.dma_semaphore, #tpu.memory_space<semaphore_mem>>)
      %mul3A_88 = arith.constant 4 : i32
      %mul3A_89 = arith.muli %scan3A_57, %mul3A_88 : i32
      %add3A_90 = arith.constant 1 : i32
      %add3A_91 = arith.addi %mul3A_89, %add3A_90 : i32
      %dma_wait3A_92 = arith.constant 1 : i32
      %dma_wait3A_93 = arith.constant 0 : i32
      %dma_wait3A_94 = arith.constant 0 : i32
      %dma_wait3A_95 = tpu.memref_slice %arg6[%dma_wait3A_92, %dma_wait3A_93, %dma_wait3A_94] : memref<4x128x128xf32, #tpu.memory_space<vmem>> -> memref<1x128x128xf32, #tpu.memory_space<vmem>>
      %dma_wait3A_96 = tpu.memref_squeeze %dma_wait3A_95 : memref<1x128x128xf32, #tpu.memory_space<vmem>> -> memref<128x128xf32, #tpu.memory_space<vmem>>
      %dma_wait3A_97 = arith.constant 0 : i32
      %dma_wait3A_98 = tpu.memref_slice %arg5[%add3A_91, %dma_wait3A_97] : memref<200x128xi32, #tpu.memory_space<vmem>> -> memref<1x128xi32, #tpu.memory_space<vmem>>
      %dma_wait3A_99 = tpu.memref_squeeze %dma_wait3A_98 : memref<1x128xi32, #tpu.memory_space<vmem>> -> memref<128xi32, #tpu.memory_space<vmem>>
      %dma_wait3A_100 = arith.constant 0 : i32
      %dma_wait3A_101 = arith.constant 0 : i32
      %dma_wait3A_102 = tpu.memref_slice %arg2[%dma_wait3A_100, %dma_wait3A_101] : memref<100000x128xf32, #tpu.memory_space<hbm>> -> memref<100000x128xf32, #tpu.memory_space<hbm>>
      tpu.wait_indirect_dma semaphore(%arg8 : memref<!tpu.dma_semaphore, #tpu.memory_space<semaphore_mem>>) src(%dma_wait3A_102 : memref<100000x128xf32, #tpu.memory_space<hbm>>) dst(%dma_wait3A_96 : memref<128x128xf32, #tpu.memory_space<vmem>>)
      %mul3A_103 = arith.constant 128 : i32
      %mul3A_104 = arith.muli %add3A_91, %mul3A_103 : i32
      %add3A_105 = arith.addi %mul3A_2, %mul3A_104 : i32
      %dma_start3A_106 = arith.constant 1 : i32
      %dma_start3A_107 = arith.constant 0 : i32
      %dma_start3A_108 = arith.constant 0 : i32
      %dma_start3A_109 = tpu.memref_slice %arg6[%dma_start3A_106, %dma_start3A_107, %dma_start3A_108] : memref<4x128x128xf32, #tpu.memory_space<vmem>> -> memref<1x128x128xf32, #tpu.memory_space<vmem>>
      %dma_start3A_110 = tpu.memref_squeeze %dma_start3A_109 : memref<1x128x128xf32, #tpu.memory_space<vmem>> -> memref<128x128xf32, #tpu.memory_space<vmem>>
      %dma_start3A_111 = arith.constant 0 : i32
      %dma_start3A_112 = tpu.memref_slice %arg4[%add3A_105, %dma_start3A_111] : memref<819200x128xf32, #tpu.memory_space<hbm>> -> memref<128x128xf32, #tpu.memory_space<hbm>>
      %dma_start3A_113 = arith.constant 0 : i32
      %dma_start3A_114 = tpu.memref_slice %arg4[%add3A_105, %dma_start3A_113] : memref<819200x128xf32, #tpu.memory_space<hbm>> -> memref<128x128xf32, #tpu.memory_space<hbm>>
      %dma_start3A_115 = arith.constant 0 : i32
      %dma_start3A_116 = arith.constant 0 : i32
      %dma_start3A_117 = tpu.memref_slice %arg6[%dma_start3A_106, %dma_start3A_115, %dma_start3A_116] : memref<4x128x128xf32, #tpu.memory_space<vmem>> -> memref<1x128x128xf32, #tpu.memory_space<vmem>>
      %dma_start3A_118 = tpu.memref_squeeze %dma_start3A_117 : memref<1x128x128xf32, #tpu.memory_space<vmem>> -> memref<128x128xf32, #tpu.memory_space<vmem>>
      tpu.enqueue_dma source(%dma_start3A_118 : memref<128x128xf32, #tpu.memory_space<vmem>>) target(%dma_start3A_114 : memref<128x128xf32, #tpu.memory_space<hbm>>) target_semaphore(%arg12 : memref<!tpu.dma_semaphore, #tpu.memory_space<semaphore_mem>>)
      %mul3A_119 = arith.constant 4 : i32
      %mul3A_120 = arith.muli %scan3A_57, %mul3A_119 : i32
      %add3A_121 = arith.constant 2 : i32
      %add3A_122 = arith.addi %mul3A_120, %add3A_121 : i32
      %dma_wait3A_123 = arith.constant 2 : i32
      %dma_wait3A_124 = arith.constant 0 : i32
      %dma_wait3A_125 = arith.constant 0 : i32
      %dma_wait3A_126 = tpu.memref_slice %arg6[%dma_wait3A_123, %dma_wait3A_124, %dma_wait3A_125] : memref<4x128x128xf32, #tpu.memory_space<vmem>> -> memref<1x128x128xf32, #tpu.memory_space<vmem>>
      %dma_wait3A_127 = tpu.memref_squeeze %dma_wait3A_126 : memref<1x128x128xf32, #tpu.memory_space<vmem>> -> memref<128x128xf32, #tpu.memory_space<vmem>>
      %dma_wait3A_128 = arith.constant 0 : i32
      %dma_wait3A_129 = tpu.memref_slice %arg5[%add3A_122, %dma_wait3A_128] : memref<200x128xi32, #tpu.memory_space<vmem>> -> memref<1x128xi32, #tpu.memory_space<vmem>>
      %dma_wait3A_130 = tpu.memref_squeeze %dma_wait3A_129 : memref<1x128xi32, #tpu.memory_space<vmem>> -> memref<128xi32, #tpu.memory_space<vmem>>
      %dma_wait3A_131 = arith.constant 0 : i32
      %dma_wait3A_132 = arith.constant 0 : i32
      %dma_wait3A_133 = tpu.memref_slice %arg2[%dma_wait3A_131, %dma_wait3A_132] : memref<100000x128xf32, #tpu.memory_space<hbm>> -> memref<100000x128xf32, #tpu.memory_space<hbm>>
      tpu.wait_indirect_dma semaphore(%arg9 : memref<!tpu.dma_semaphore, #tpu.memory_space<semaphore_mem>>) src(%dma_wait3A_133 : memref<100000x128xf32, #tpu.memory_space<hbm>>) dst(%dma_wait3A_127 : memref<128x128xf32, #tpu.memory_space<vmem>>)
      %mul3A_134 = arith.constant 128 : i32
      %mul3A_135 = arith.muli %add3A_122, %mul3A_134 : i32
      %add3A_136 = arith.addi %mul3A_2, %mul3A_135 : i32
      %dma_start3A_137 = arith.constant 2 : i32
      %dma_start3A_138 = arith.constant 0 : i32
      %dma_start3A_139 = arith.constant 0 : i32
      %dma_start3A_140 = tpu.memref_slice %arg6[%dma_start3A_137, %dma_start3A_138, %dma_start3A_139] : memref<4x128x128xf32, #tpu.memory_space<vmem>> -> memref<1x128x128xf32, #tpu.memory_space<vmem>>
      %dma_start3A_141 = tpu.memref_squeeze %dma_start3A_140 : memref<1x128x128xf32, #tpu.memory_space<vmem>> -> memref<128x128xf32, #tpu.memory_space<vmem>>
      %dma_start3A_142 = arith.constant 0 : i32
      %dma_start3A_143 = tpu.memref_slice %arg4[%add3A_136, %dma_start3A_142] : memref<819200x128xf32, #tpu.memory_space<hbm>> -> memref<128x128xf32, #tpu.memory_space<hbm>>
      %dma_start3A_144 = arith.constant 0 : i32
      %dma_start3A_145 = tpu.memref_slice %arg4[%add3A_136, %dma_start3A_144] : memref<819200x128xf32, #tpu.memory_space<hbm>> -> memref<128x128xf32, #tpu.memory_space<hbm>>
      %dma_start3A_146 = arith.constant 0 : i32
      %dma_start3A_147 = arith.constant 0 : i32
      %dma_start3A_148 = tpu.memref_slice %arg6[%dma_start3A_137, %dma_start3A_146, %dma_start3A_147] : memref<4x128x128xf32, #tpu.memory_space<vmem>> -> memref<1x128x128xf32, #tpu.memory_space<vmem>>
      %dma_start3A_149 = tpu.memref_squeeze %dma_start3A_148 : memref<1x128x128xf32, #tpu.memory_space<vmem>> -> memref<128x128xf32, #tpu.memory_space<vmem>>
      tpu.enqueue_dma source(%dma_start3A_149 : memref<128x128xf32, #tpu.memory_space<vmem>>) target(%dma_start3A_145 : memref<128x128xf32, #tpu.memory_space<hbm>>) target_semaphore(%arg13 : memref<!tpu.dma_semaphore, #tpu.memory_space<semaphore_mem>>)
      %mul3A_150 = arith.constant 4 : i32
      %mul3A_151 = arith.muli %scan3A_57, %mul3A_150 : i32
      %add3A_152 = arith.constant 3 : i32
      %add3A_153 = arith.addi %mul3A_151, %add3A_152 : i32
      %dma_wait3A_154 = arith.constant 3 : i32
      %dma_wait3A_155 = arith.constant 0 : i32
      %dma_wait3A_156 = arith.constant 0 : i32
      %dma_wait3A_157 = tpu.memref_slice %arg6[%dma_wait3A_154, %dma_wait3A_155, %dma_wait3A_156] : memref<4x128x128xf32, #tpu.memory_space<vmem>> -> memref<1x128x128xf32, #tpu.memory_space<vmem>>
      %dma_wait3A_158 = tpu.memref_squeeze %dma_wait3A_157 : memref<1x128x128xf32, #tpu.memory_space<vmem>> -> memref<128x128xf32, #tpu.memory_space<vmem>>
      %dma_wait3A_159 = arith.constant 0 : i32
      %dma_wait3A_160 = tpu.memref_slice %arg5[%add3A_153, %dma_wait3A_159] : memref<200x128xi32, #tpu.memory_space<vmem>> -> memref<1x128xi32, #tpu.memory_space<vmem>>
      %dma_wait3A_161 = tpu.memref_squeeze %dma_wait3A_160 : memref<1x128xi32, #tpu.memory_space<vmem>> -> memref<128xi32, #tpu.memory_space<vmem>>
      %dma_wait3A_162 = arith.constant 0 : i32
      %dma_wait3A_163 = arith.constant 0 : i32
      %dma_wait3A_164 = tpu.memref_slice %arg2[%dma_wait3A_162, %dma_wait3A_163] : memref<100000x128xf32, #tpu.memory_space<hbm>> -> memref<100000x128xf32, #tpu.memory_space<hbm>>
      tpu.wait_indirect_dma semaphore(%arg10 : memref<!tpu.dma_semaphore, #tpu.memory_space<semaphore_mem>>) src(%dma_wait3A_164 : memref<100000x128xf32, #tpu.memory_space<hbm>>) dst(%dma_wait3A_158 : memref<128x128xf32, #tpu.memory_space<vmem>>)
      %mul3A_165 = arith.constant 128 : i32
      %mul3A_166 = arith.muli %add3A_153, %mul3A_165 : i32
      %add3A_167 = arith.addi %mul3A_2, %mul3A_166 : i32
      %dma_start3A_168 = arith.constant 3 : i32
      %dma_start3A_169 = arith.constant 0 : i32
      %dma_start3A_170 = arith.constant 0 : i32
      %dma_start3A_171 = tpu.memref_slice %arg6[%dma_start3A_168, %dma_start3A_169, %dma_start3A_170] : memref<4x128x128xf32, #tpu.memory_space<vmem>> -> memref<1x128x128xf32, #tpu.memory_space<vmem>>
      %dma_start3A_172 = tpu.memref_squeeze %dma_start3A_171 : memref<1x128x128xf32, #tpu.memory_space<vmem>> -> memref<128x128xf32, #tpu.memory_space<vmem>>
      %dma_start3A_173 = arith.constant 0 : i32
      %dma_start3A_174 = tpu.memref_slice %arg4[%add3A_167, %dma_start3A_173] : memref<819200x128xf32, #tpu.memory_space<hbm>> -> memref<128x128xf32, #tpu.memory_space<hbm>>
      %dma_start3A_175 = arith.constant 0 : i32
      %dma_start3A_176 = tpu.memref_slice %arg4[%add3A_167, %dma_start3A_175] : memref<819200x128xf32, #tpu.memory_space<hbm>> -> memref<128x128xf32, #tpu.memory_space<hbm>>
      %dma_start3A_177 = arith.constant 0 : i32
      %dma_start3A_178 = arith.constant 0 : i32
      %dma_start3A_179 = tpu.memref_slice %arg6[%dma_start3A_168, %dma_start3A_177, %dma_start3A_178] : memref<4x128x128xf32, #tpu.memory_space<vmem>> -> memref<1x128x128xf32, #tpu.memory_space<vmem>>
      %dma_start3A_180 = tpu.memref_squeeze %dma_start3A_179 : memref<1x128x128xf32, #tpu.memory_space<vmem>> -> memref<128x128xf32, #tpu.memory_space<vmem>>
      tpu.enqueue_dma source(%dma_start3A_180 : memref<128x128xf32, #tpu.memory_space<vmem>>) target(%dma_start3A_176 : memref<128x128xf32, #tpu.memory_space<hbm>>) target_semaphore(%arg14 : memref<!tpu.dma_semaphore, #tpu.memory_space<semaphore_mem>>)
      %mul3A_181 = arith.constant 4 : i32
      %mul3A_182 = arith.muli %scan3A_57, %mul3A_181 : i32
      %add3A_183 = arith.constant 0 : i32
      %add3A_184 = arith.addi %mul3A_182, %add3A_183 : i32
      %add3A_185 = arith.constant 4 : i32
      %add3A_186 = arith.addi %add3A_184, %add3A_185 : i32
      %mul3A_187 = arith.constant 128 : i32
      %mul3A_188 = arith.muli %add3A_184, %mul3A_187 : i32
      %add3A_189 = arith.addi %mul3A_2, %mul3A_188 : i32
      %dma_wait3A_190 = arith.constant 0 : i32
      %dma_wait3A_191 = arith.constant 0 : i32
      %dma_wait3A_192 = arith.constant 0 : i32
      %dma_wait3A_193 = tpu.memref_slice %arg6[%dma_wait3A_190, %dma_wait3A_191, %dma_wait3A_192] : memref<4x128x128xf32, #tpu.memory_space<vmem>> -> memref<1x128x128xf32, #tpu.memory_space<vmem>>
      %dma_wait3A_194 = tpu.memref_squeeze %dma_wait3A_193 : memref<1x128x128xf32, #tpu.memory_space<vmem>> -> memref<128x128xf32, #tpu.memory_space<vmem>>
      %dma_wait3A_195 = arith.constant 0 : i32
      %dma_wait3A_196 = tpu.memref_slice %arg4[%add3A_189, %dma_wait3A_195] : memref<819200x128xf32, #tpu.memory_space<hbm>> -> memref<128x128xf32, #tpu.memory_space<hbm>>
      %dma_wait3A_197 = arith.constant 0 : i32
      %dma_wait3A_198 = tpu.memref_slice %arg4[%add3A_189, %dma_wait3A_197] : memref<819200x128xf32, #tpu.memory_space<hbm>> -> memref<128x128xf32, #tpu.memory_space<hbm>>
      %dma_wait3A_199 = arith.constant 0 : i32
      %dma_wait3A_200 = arith.constant 0 : i32
      %dma_wait3A_201 = tpu.memref_slice %arg6[%dma_wait3A_190, %dma_wait3A_199, %dma_wait3A_200] : memref<4x128x128xf32, #tpu.memory_space<vmem>> -> memref<1x128x128xf32, #tpu.memory_space<vmem>>
      %dma_wait3A_202 = tpu.memref_squeeze %dma_wait3A_201 : memref<1x128x128xf32, #tpu.memory_space<vmem>> -> memref<128x128xf32, #tpu.memory_space<vmem>>
      tpu.wait_dma2 semaphore(%arg11 : memref<!tpu.dma_semaphore, #tpu.memory_space<semaphore_mem>>) src(%dma_wait3A_202 : memref<128x128xf32, #tpu.memory_space<vmem>>) dst(%dma_wait3A_198 : memref<128x128xf32, #tpu.memory_space<hbm>>)
      %lt3A = arith.constant 200 : i32
      %lt3A_203 = arith.cmpi slt, %add3A_186, %lt3A : i32
      %convert_element_type3A = arith.extui %lt3A_203 : i1 to i32
      %cond3A = arith.constant 0 : i32
      %cond3A_204 = arith.cmpi ne, %convert_element_type3A, %cond3A : i32
      scf.if %cond3A_204 {
        %dma_start3A_286 = arith.constant 0 : i32
        %dma_start3A_287 = arith.constant 0 : i32
        %dma_start3A_288 = arith.constant 0 : i32
        %dma_start3A_289 = tpu.memref_slice %arg6[%dma_start3A_286, %dma_start3A_287, %dma_start3A_288] : memref<4x128x128xf32, #tpu.memory_space<vmem>> -> memref<1x128x128xf32, #tpu.memory_space<vmem>>
        %dma_start3A_290 = tpu.memref_squeeze %dma_start3A_289 : memref<1x128x128xf32, #tpu.memory_space<vmem>> -> memref<128x128xf32, #tpu.memory_space<vmem>>
        %dma_start3A_291 = arith.constant 0 : i32
        %dma_start3A_292 = tpu.memref_slice %arg5[%add3A_186, %dma_start3A_291] : memref<200x128xi32, #tpu.memory_space<vmem>> -> memref<1x128xi32, #tpu.memory_space<vmem>>
        %dma_start3A_293 = tpu.memref_squeeze %dma_start3A_292 : memref<1x128xi32, #tpu.memory_space<vmem>> -> memref<128xi32, #tpu.memory_space<vmem>>
        %dma_start3A_294 = arith.constant 0 : i32
        %dma_start3A_295 = arith.constant 0 : i32
        %dma_start3A_296 = tpu.memref_slice %arg2[%dma_start3A_294, %dma_start3A_295] : memref<100000x128xf32, #tpu.memory_space<hbm>> -> memref<100000x128xf32, #tpu.memory_space<hbm>>
        tpu.enqueue_indirect_dma source(%dma_start3A_296 : memref<100000x128xf32, #tpu.memory_space<hbm>>) target(%dma_start3A_290 : memref<128x128xf32, #tpu.memory_space<vmem>>) offsets(%dma_start3A_293 : memref<128xi32, #tpu.memory_space<vmem>>) semaphore(%arg7 : memref<!tpu.dma_semaphore, #tpu.memory_space<semaphore_mem>>)
      } else {
      }
      %mul3A_205 = arith.constant 4 : i32
      %mul3A_206 = arith.muli %scan3A_57, %mul3A_205 : i32
      %add3A_207 = arith.constant 1 : i32
      %add3A_208 = arith.addi %mul3A_206, %add3A_207 : i32
      %add3A_209 = arith.constant 4 : i32
      %add3A_210 = arith.addi %add3A_208, %add3A_209 : i32
      %mul3A_211 = arith.constant 128 : i32
      %mul3A_212 = arith.muli %add3A_208, %mul3A_211 : i32
      %add3A_213 = arith.addi %mul3A_2, %mul3A_212 : i32
      %dma_wait3A_214 = arith.constant 1 : i32
      %dma_wait3A_215 = arith.constant 0 : i32
      %dma_wait3A_216 = arith.constant 0 : i32
      %dma_wait3A_217 = tpu.memref_slice %arg6[%dma_wait3A_214, %dma_wait3A_215, %dma_wait3A_216] : memref<4x128x128xf32, #tpu.memory_space<vmem>> -> memref<1x128x128xf32, #tpu.memory_space<vmem>>
      %dma_wait3A_218 = tpu.memref_squeeze %dma_wait3A_217 : memref<1x128x128xf32, #tpu.memory_space<vmem>> -> memref<128x128xf32, #tpu.memory_space<vmem>>
      %dma_wait3A_219 = arith.constant 0 : i32
      %dma_wait3A_220 = tpu.memref_slice %arg4[%add3A_213, %dma_wait3A_219] : memref<819200x128xf32, #tpu.memory_space<hbm>> -> memref<128x128xf32, #tpu.memory_space<hbm>>
      %dma_wait3A_221 = arith.constant 0 : i32
      %dma_wait3A_222 = tpu.memref_slice %arg4[%add3A_213, %dma_wait3A_221] : memref<819200x128xf32, #tpu.memory_space<hbm>> -> memref<128x128xf32, #tpu.memory_space<hbm>>
      %dma_wait3A_223 = arith.constant 0 : i32
      %dma_wait3A_224 = arith.constant 0 : i32
      %dma_wait3A_225 = tpu.memref_slice %arg6[%dma_wait3A_214, %dma_wait3A_223, %dma_wait3A_224] : memref<4x128x128xf32, #tpu.memory_space<vmem>> -> memref<1x128x128xf32, #tpu.memory_space<vmem>>
      %dma_wait3A_226 = tpu.memref_squeeze %dma_wait3A_225 : memref<1x128x128xf32, #tpu.memory_space<vmem>> -> memref<128x128xf32, #tpu.memory_space<vmem>>
      tpu.wait_dma2 semaphore(%arg12 : memref<!tpu.dma_semaphore, #tpu.memory_space<semaphore_mem>>) src(%dma_wait3A_226 : memref<128x128xf32, #tpu.memory_space<vmem>>) dst(%dma_wait3A_222 : memref<128x128xf32, #tpu.memory_space<hbm>>)
      %lt3A_227 = arith.constant 200 : i32
      %lt3A_228 = arith.cmpi slt, %add3A_210, %lt3A_227 : i32
      %convert_element_type3A_229 = arith.extui %lt3A_228 : i1 to i32
      %cond3A_230 = arith.constant 0 : i32
      %cond3A_231 = arith.cmpi ne, %convert_element_type3A_229, %cond3A_230 : i32
      scf.if %cond3A_231 {
        %dma_start3A_286 = arith.constant 1 : i32
        %dma_start3A_287 = arith.constant 0 : i32
        %dma_start3A_288 = arith.constant 0 : i32
        %dma_start3A_289 = tpu.memref_slice %arg6[%dma_start3A_286, %dma_start3A_287, %dma_start3A_288] : memref<4x128x128xf32, #tpu.memory_space<vmem>> -> memref<1x128x128xf32, #tpu.memory_space<vmem>>
        %dma_start3A_290 = tpu.memref_squeeze %dma_start3A_289 : memref<1x128x128xf32, #tpu.memory_space<vmem>> -> memref<128x128xf32, #tpu.memory_space<vmem>>
        %dma_start3A_291 = arith.constant 0 : i32
        %dma_start3A_292 = tpu.memref_slice %arg5[%add3A_210, %dma_start3A_291] : memref<200x128xi32, #tpu.memory_space<vmem>> -> memref<1x128xi32, #tpu.memory_space<vmem>>
        %dma_start3A_293 = tpu.memref_squeeze %dma_start3A_292 : memref<1x128xi32, #tpu.memory_space<vmem>> -> memref<128xi32, #tpu.memory_space<vmem>>
        %dma_start3A_294 = arith.constant 0 : i32
        %dma_start3A_295 = arith.constant 0 : i32
        %dma_start3A_296 = tpu.memref_slice %arg2[%dma_start3A_294, %dma_start3A_295] : memref<100000x128xf32, #tpu.memory_space<hbm>> -> memref<100000x128xf32, #tpu.memory_space<hbm>>
        tpu.enqueue_indirect_dma source(%dma_start3A_296 : memref<100000x128xf32, #tpu.memory_space<hbm>>) target(%dma_start3A_290 : memref<128x128xf32, #tpu.memory_space<vmem>>) offsets(%dma_start3A_293 : memref<128xi32, #tpu.memory_space<vmem>>) semaphore(%arg8 : memref<!tpu.dma_semaphore, #tpu.memory_space<semaphore_mem>>)
      } else {
      }
      %mul3A_232 = arith.constant 4 : i32
      %mul3A_233 = arith.muli %scan3A_57, %mul3A_232 : i32
      %add3A_234 = arith.constant 2 : i32
      %add3A_235 = arith.addi %mul3A_233, %add3A_234 : i32
      %add3A_236 = arith.constant 4 : i32
      %add3A_237 = arith.addi %add3A_235, %add3A_236 : i32
      %mul3A_238 = arith.constant 128 : i32
      %mul3A_239 = arith.muli %add3A_235, %mul3A_238 : i32
      %add3A_240 = arith.addi %mul3A_2, %mul3A_239 : i32
      %dma_wait3A_241 = arith.constant 2 : i32
      %dma_wait3A_242 = arith.constant 0 : i32
      %dma_wait3A_243 = arith.constant 0 : i32
      %dma_wait3A_244 = tpu.memref_slice %arg6[%dma_wait3A_241, %dma_wait3A_242, %dma_wait3A_243] : memref<4x128x128xf32, #tpu.memory_space<vmem>> -> memref<1x128x128xf32, #tpu.memory_space<vmem>>
      %dma_wait3A_245 = tpu.memref_squeeze %dma_wait3A_244 : memref<1x128x128xf32, #tpu.memory_space<vmem>> -> memref<128x128xf32, #tpu.memory_space<vmem>>
      %dma_wait3A_246 = arith.constant 0 : i32
      %dma_wait3A_247 = tpu.memref_slice %arg4[%add3A_240, %dma_wait3A_246] : memref<819200x128xf32, #tpu.memory_space<hbm>> -> memref<128x128xf32, #tpu.memory_space<hbm>>
      %dma_wait3A_248 = arith.constant 0 : i32
      %dma_wait3A_249 = tpu.memref_slice %arg4[%add3A_240, %dma_wait3A_248] : memref<819200x128xf32, #tpu.memory_space<hbm>> -> memref<128x128xf32, #tpu.memory_space<hbm>>
      %dma_wait3A_250 = arith.constant 0 : i32
      %dma_wait3A_251 = arith.constant 0 : i32
      %dma_wait3A_252 = tpu.memref_slice %arg6[%dma_wait3A_241, %dma_wait3A_250, %dma_wait3A_251] : memref<4x128x128xf32, #tpu.memory_space<vmem>> -> memref<1x128x128xf32, #tpu.memory_space<vmem>>
      %dma_wait3A_253 = tpu.memref_squeeze %dma_wait3A_252 : memref<1x128x128xf32, #tpu.memory_space<vmem>> -> memref<128x128xf32, #tpu.memory_space<vmem>>
      tpu.wait_dma2 semaphore(%arg13 : memref<!tpu.dma_semaphore, #tpu.memory_space<semaphore_mem>>) src(%dma_wait3A_253 : memref<128x128xf32, #tpu.memory_space<vmem>>) dst(%dma_wait3A_249 : memref<128x128xf32, #tpu.memory_space<hbm>>)
      %lt3A_254 = arith.constant 200 : i32
      %lt3A_255 = arith.cmpi slt, %add3A_237, %lt3A_254 : i32
      %convert_element_type3A_256 = arith.extui %lt3A_255 : i1 to i32
      %cond3A_257 = arith.constant 0 : i32
      %cond3A_258 = arith.cmpi ne, %convert_element_type3A_256, %cond3A_257 : i32
      scf.if %cond3A_258 {
        %dma_start3A_286 = arith.constant 2 : i32
        %dma_start3A_287 = arith.constant 0 : i32
        %dma_start3A_288 = arith.constant 0 : i32
        %dma_start3A_289 = tpu.memref_slice %arg6[%dma_start3A_286, %dma_start3A_287, %dma_start3A_288] : memref<4x128x128xf32, #tpu.memory_space<vmem>> -> memref<1x128x128xf32, #tpu.memory_space<vmem>>
        %dma_start3A_290 = tpu.memref_squeeze %dma_start3A_289 : memref<1x128x128xf32, #tpu.memory_space<vmem>> -> memref<128x128xf32, #tpu.memory_space<vmem>>
        %dma_start3A_291 = arith.constant 0 : i32
        %dma_start3A_292 = tpu.memref_slice %arg5[%add3A_237, %dma_start3A_291] : memref<200x128xi32, #tpu.memory_space<vmem>> -> memref<1x128xi32, #tpu.memory_space<vmem>>
        %dma_start3A_293 = tpu.memref_squeeze %dma_start3A_292 : memref<1x128xi32, #tpu.memory_space<vmem>> -> memref<128xi32, #tpu.memory_space<vmem>>
        %dma_start3A_294 = arith.constant 0 : i32
        %dma_start3A_295 = arith.constant 0 : i32
        %dma_start3A_296 = tpu.memref_slice %arg2[%dma_start3A_294, %dma_start3A_295] : memref<100000x128xf32, #tpu.memory_space<hbm>> -> memref<100000x128xf32, #tpu.memory_space<hbm>>
        tpu.enqueue_indirect_dma source(%dma_start3A_296 : memref<100000x128xf32, #tpu.memory_space<hbm>>) target(%dma_start3A_290 : memref<128x128xf32, #tpu.memory_space<vmem>>) offsets(%dma_start3A_293 : memref<128xi32, #tpu.memory_space<vmem>>) semaphore(%arg9 : memref<!tpu.dma_semaphore, #tpu.memory_space<semaphore_mem>>)
      } else {
      }
      %mul3A_259 = arith.constant 4 : i32
      %mul3A_260 = arith.muli %scan3A_57, %mul3A_259 : i32
      %add3A_261 = arith.constant 3 : i32
      %add3A_262 = arith.addi %mul3A_260, %add3A_261 : i32
      %add3A_263 = arith.constant 4 : i32
      %add3A_264 = arith.addi %add3A_262, %add3A_263 : i32
      %mul3A_265 = arith.constant 128 : i32
      %mul3A_266 = arith.muli %add3A_262, %mul3A_265 : i32
      %add3A_267 = arith.addi %mul3A_2, %mul3A_266 : i32
      %dma_wait3A_268 = arith.constant 3 : i32
      %dma_wait3A_269 = arith.constant 0 : i32
      %dma_wait3A_270 = arith.constant 0 : i32
      %dma_wait3A_271 = tpu.memref_slice %arg6[%dma_wait3A_268, %dma_wait3A_269, %dma_wait3A_270] : memref<4x128x128xf32, #tpu.memory_space<vmem>> -> memref<1x128x128xf32, #tpu.memory_space<vmem>>
      %dma_wait3A_272 = tpu.memref_squeeze %dma_wait3A_271 : memref<1x128x128xf32, #tpu.memory_space<vmem>> -> memref<128x128xf32, #tpu.memory_space<vmem>>
      %dma_wait3A_273 = arith.constant 0 : i32
      %dma_wait3A_274 = tpu.memref_slice %arg4[%add3A_267, %dma_wait3A_273] : memref<819200x128xf32, #tpu.memory_space<hbm>> -> memref<128x128xf32, #tpu.memory_space<hbm>>
      %dma_wait3A_275 = arith.constant 0 : i32
      %dma_wait3A_276 = tpu.memref_slice %arg4[%add3A_267, %dma_wait3A_275] : memref<819200x128xf32, #tpu.memory_space<hbm>> -> memref<128x128xf32, #tpu.memory_space<hbm>>
      %dma_wait3A_277 = arith.constant 0 : i32
      %dma_wait3A_278 = arith.constant 0 : i32
      %dma_wait3A_279 = tpu.memref_slice %arg6[%dma_wait3A_268, %dma_wait3A_277, %dma_wait3A_278] : memref<4x128x128xf32, #tpu.memory_space<vmem>> -> memref<1x128x128xf32, #tpu.memory_space<vmem>>
      %dma_wait3A_280 = tpu.memref_squeeze %dma_wait3A_279 : memref<1x128x128xf32, #tpu.memory_space<vmem>> -> memref<128x128xf32, #tpu.memory_space<vmem>>
      tpu.wait_dma2 semaphore(%arg14 : memref<!tpu.dma_semaphore, #tpu.memory_space<semaphore_mem>>) src(%dma_wait3A_280 : memref<128x128xf32, #tpu.memory_space<vmem>>) dst(%dma_wait3A_276 : memref<128x128xf32, #tpu.memory_space<hbm>>)
      %lt3A_281 = arith.constant 200 : i32
      %lt3A_282 = arith.cmpi slt, %add3A_264, %lt3A_281 : i32
      %convert_element_type3A_283 = arith.extui %lt3A_282 : i1 to i32
      %cond3A_284 = arith.constant 0 : i32
      %cond3A_285 = arith.cmpi ne, %convert_element_type3A_283, %cond3A_284 : i32
      scf.if %cond3A_285 {
        %dma_start3A_286 = arith.constant 3 : i32
        %dma_start3A_287 = arith.constant 0 : i32
        %dma_start3A_288 = arith.constant 0 : i32
        %dma_start3A_289 = tpu.memref_slice %arg6[%dma_start3A_286, %dma_start3A_287, %dma_start3A_288] : memref<4x128x128xf32, #tpu.memory_space<vmem>> -> memref<1x128x128xf32, #tpu.memory_space<vmem>>
        %dma_start3A_290 = tpu.memref_squeeze %dma_start3A_289 : memref<1x128x128xf32, #tpu.memory_space<vmem>> -> memref<128x128xf32, #tpu.memory_space<vmem>>
        %dma_start3A_291 = arith.constant 0 : i32
        %dma_start3A_292 = tpu.memref_slice %arg5[%add3A_264, %dma_start3A_291] : memref<200x128xi32, #tpu.memory_space<vmem>> -> memref<1x128xi32, #tpu.memory_space<vmem>>
        %dma_start3A_293 = tpu.memref_squeeze %dma_start3A_292 : memref<1x128xi32, #tpu.memory_space<vmem>> -> memref<128xi32, #tpu.memory_space<vmem>>
        %dma_start3A_294 = arith.constant 0 : i32
        %dma_start3A_295 = arith.constant 0 : i32
        %dma_start3A_296 = tpu.memref_slice %arg2[%dma_start3A_294, %dma_start3A_295] : memref<100000x128xf32, #tpu.memory_space<hbm>> -> memref<100000x128xf32, #tpu.memory_space<hbm>>
        tpu.enqueue_indirect_dma source(%dma_start3A_296 : memref<100000x128xf32, #tpu.memory_space<hbm>>) target(%dma_start3A_290 : memref<128x128xf32, #tpu.memory_space<vmem>>) offsets(%dma_start3A_293 : memref<128xi32, #tpu.memory_space<vmem>>) semaphore(%arg10 : memref<!tpu.dma_semaphore, #tpu.memory_space<semaphore_mem>>)
      } else {
      }
    }
    %scan3A_56 = arith.constant 50 : i32
    return
  }
}

module attributes {stable_mosaic.version = 14 : i64} {
  func.func @_pos_kernel(%arg0: i32, %arg1: memref<200x128xf32, #tpu.memory_space<vmem>>, %arg2: memref<16x200x128xf32, #tpu.memory_space<vmem>>) attributes {dimension_semantics = [#tpu.dimension_semantics<arbitrary>], iteration_bounds = array<i64: 256>, scalar_prefetch = 0 : i64, scratch_operands = 0 : i64, tpu.core_type = #tpu.core_type<tc>, window_params = [{pipeline_mode = #tpu.pipeline_mode<synchronous>, transform_indices = @transform_0, window_bounds = array<i64: 200, 128>}, {transform_indices = @transform_1, window_bounds = array<i64: 16, 200, 128>}]} {
    %get3A = arith.constant 0 : index
    %get3A_0 = arith.constant 0 : index
    %get3A_1 = vector.load %arg1[%get3A, %get3A_0] : memref<200x128xf32, #tpu.memory_space<vmem>>, vector<200x128xf32>
    %broadcast_in_dim3A = vector.shape_cast %get3A_1 : vector<200x128xf32> to vector<1x200x128xf32>
    %broadcast_in_dim3A_2 = vector.shape_cast %broadcast_in_dim3A : vector<1x200x128xf32> to vector<1x200x128xf32>
    %broadcast_in_dim3A_3 = vector.broadcast %broadcast_in_dim3A_2 : vector<1x200x128xf32> to vector<16x200x128xf32>
    %swap3A = arith.constant 0 : index
    %swap3A_4 = arith.constant 0 : index
    %swap3A_5 = arith.constant 0 : index
    %swap3A_6 = vector.load %arg2[%swap3A, %swap3A_4, %swap3A_5] : memref<16x200x128xf32, #tpu.memory_space<vmem>>, vector<16x200x128xf32>
    tpu.vector_store %arg2[%swap3A, %swap3A_4, %swap3A_5], %broadcast_in_dim3A_3 {strides = array<i32>} : memref<16x200x128xf32, #tpu.memory_space<vmem>>, vector<16x200x128xf32>,
    return
  }
  func.func @transform_0(%arg0: i32) -> (i32, i32) {
    %c0_i32 = arith.constant 0 : i32
    %c0_i32_0 = arith.constant 0 : i32
    %c0_i32_1 = arith.constant 0 : i32
    return %c0_i32, %c0_i32_0 : i32, i32
  }
  func.func @transform_1(%arg0: i32) -> (i32, i32, i32) {
    %c0_i32 = arith.constant 0 : i32
    %c0_i32_0 = arith.constant 0 : i32
    %c0_i32_1 = arith.constant 0 : i32
    return %arg0, %c0_i32, %c0_i32_0 : i32, i32, i32
  }
}

</mosaic_0001>

<sc_bundles>
// kernel: kernel.4.cloned.1.call-start
scs
__scs_entry_jumppad:
0x0: {  	(pc) =	sbr.rel $0x88, $3  }
0x1: {  	(tag) =	ssettag $0x0;
	lr =	simm.s32 $0x1  }
0x2: {  	[smem:$0x3F9E] =	sst lr;
	_ =	strace $0xD0000000  }
0x3: {  	_ = 	snop  }
0x4: {  	_ = 	snop  }
0x5: {  	_ = 	snop  }
0x6: {  	_ = 	snop  }
0x7: {  	_ = 	snop  }
__scs_overlays_trampoline_lowered:
0x8: {  	[smem:$0x3FAD] =	sst s0  }
0x9: {  	[smem:$0x3FAE] =	sst s1  }
0xa: {  	[smem:$0x3FAF] =	sst s2  }
0xb: {  	[smem:$0x3FB0] =	sst s3  }
0xc: {  	[smem:$0x3FB1] =	sst s4  }
0xd: {  	[smem:$0x3FB2] =	sst s5  }
0xe: {  	[smem:$0x3FB3] =	sst s6  }
0xf: {  	[smem:$0x3FB4] =	sst s7  }
0x10: {  	[smem:$0x3FB5] =	sst s8  }
0x11: {  	[smem:$0x3FB6] =	sst s9;
	s0 =	simm.s32 @!p0 $0x0  }
0x12: {  	s1 =	sld [smem:$0x3F9C];
	s0 =	simm.s32 @p0 $0x1  }
0x13: {  	[smem:$0x3FB7] =	sst s0;
	s0 =	simm.s32 @!p1 $0x0  }
0x14: {  	s2 =	sld [smem:$0x3F9B];
	s0 =	simm.s32 @p1 $0x1  }
0x15: {  	[smem:$0x3FB8] =	sst s0;
	s0 =	simm.s32 @!p2 $0x0  }
0x16: {  	s3 =	sld [smem:$0x3FDB];
	s0 =	simm.s32 @p2 $0x1  }
0x17: {  	s4 =	simm.s32 $0x1BF5;
	[smem:$0x3FBA] =	sst s0  }
0x18: {  	s0 =	sld [smem:$0x3F9D];
	_ =	swait.ge [sflag:s4], $0x0  }
0x19: {  	s7 =	sld [smem:$0x3F9E]  }
0x1a: {  	s8 =	sadd.s32 $0xFFFFE003, lr  }
0x1b: {  	s9 =	sadd.s32 $0xFFFFFEF7, lr;
	s5 =	simm.s32 $0xFFFFFFFF;
	p2 =	slt.u32 s8, $0xFFFFF086  }
0x1c: {  	p1 =	slt.u32 s9, $0xF7A;
	s5 =	simm.s32 @!p2 $0x0  }
0x1d: {  	s5 =	simm.s32 @p1 $0x1;
	p0 =	seq.s32 s7, s2  }
0x1e: {  	s7 =	smul.u32 @!p0 $0xF7A, s2;
	p2 =	seq.s32 @!p0 s5, $0x0  }
0x1f: {  	s9 =	smul.u32 $0xF7A, s1;
	s8 =	simm.s32 @!p0 $0x1BF5;
	p2 =	por !p2, p0  }
0x20: {  	[sflag:s8] =	ssyncset.s32 @!p0 $0xFFFFF086;
	s6 =	sadd.s32 @!p0 s3, s7;
	s7 =	simm.s32 @!p0 $0x108  }
0x21: {  	s3 =	sadd.s32 s3, s9;
	s6 =	sadd.s32 @!p0 $0x88, s6;
	s7 =	simm.s32 @p2 $0x1082  }
0x22: {  	[simem:s7], [sflag:s8] =	dma.local @!p0 [hbm:s6], $0xF7A  }
0x23: {  	s9 =	sor.u32 $0xD0000000, s2;
	s6 =	simm.s32 $0x108;
	_ =	swait.ge @!p0 [sflag:s8], $0x0  }
0x24: {  	s3 =	sadd.s32 $0x88, s3;
	s6 =	simm.s32 @!p1 $0x1082;
	[sflag:s4] =	ssyncset.s32 $0xFFFFF086  }
0x25: {  	[simem:s6], [sflag:s4] =	dma.local [hbm:s3], $0xF7A  }
0x26: {  	[smem:$0x3F9E] =	sst s1;
	(tag) =	ssettag s2;
	_ =	strace s9  }
0x27: {  	s1 =	sld [smem:$0x3FAE]  }
0x28: {  	s2 =	sld [smem:$0x3FAF]  }
0x29: {  	s4 =	sld [smem:$0x3FB1]  }
0x2a: {  	p0 =	seq.s32 s5, $0x0;
	s5 =	sld [smem:$0x3FB2]  }
0x2b: {  	s6 =	sld [smem:$0x3FB3]  }
0x2c: {  	s7 =	sld [smem:$0x3FB4]  }
0x2d: {  	s3 =	simm.s32 $0x108;
	s8 =	sld [smem:$0x3FB5]  }
0x2e: {  	s3 =	simm.s32 @!p0 $0x1082;
	s9 =	sld [smem:$0x3FB6]  }
0x2f: {  	lr =	sadd.s32 s0, s3;
	s0 =	sld [smem:$0x3FAD]  }
0x30: {  	s3 =	sld [smem:$0x3FB0]  }
0x31: {  	[smem:$0x3FB9] =	sst s10  }
0x32: {  	s10 =	sld [smem:$0x3FB7];
	_ =	sdelay $0x3  }
0x33: {  	p0 =	seq.s32 s10, $0x1;
	s10 =	sld [smem:$0x3FB9];
	_ =	sdelay $0x3  }
0x34: {  	[smem:$0x3FB9] =	sst s10  }
0x35: {  	s10 =	sld [smem:$0x3FB8];
	_ =	sdelay $0x3  }
0x36: {  	p1 =	seq.s32 s10, $0x1;
	s10 =	sld [smem:$0x3FB9];
	_ =	sdelay $0x3  }
0x37: {  	[smem:$0x3FB9] =	sst s10  }
0x38: {  	s10 =	sld [smem:$0x3FBA]  }
0x39: {  	_ = 	snop;
	(pc) =	sbr.ind lr, $3  }
0x3a: {  	_ = 	snop  }
0x3b: {  	_ = 	snop  }
0x3c: {  	p2 =	seq.s32 s10, $0x1;
	s10 =	sld [smem:$0x3FB9]  }
0x3d: {  	_ =	shalt  }
0x3e: {  	_ =	shalt  }
0x3f: {  	_ =	shalt  }
0x40: {  	_ =	shalt  }
0x41: {  	_ =	shalt  }
0x42: {  	_ =	shalt  }
0x43: {  	_ =	shalt  }
0x44: {  	_ =	shalt  }
0x45: {  	_ =	shalt  }
0x46: {  	_ =	shalt  }
0x47: {  	_ =	shalt  }
0x48: {  	_ =	shalt  }
0x49: {  	_ =	shalt  }
0x4a: {  	_ =	shalt  }
0x4b: {  	_ =	shalt  }
0x4c: {  	_ =	shalt  }
0x4d: {  	_ =	shalt  }
0x4e: {  	_ =	shalt  }
0x4f: {  	_ =	shalt  }
0x50: {  	_ =	shalt  }
0x51: {  	_ =	shalt  }
0x52: {  	_ =	shalt  }
0x53: {  	_ =	shalt  }
0x54: {  	_ =	shalt  }
0x55: {  	_ =	shalt  }
0x56: {  	_ =	shalt  }
0x57: {  	_ =	shalt  }
0x58: {  	_ =	shalt  }
0x59: {  	_ =	shalt  }
0x5a: {  	_ =	shalt  }
0x5b: {  	_ =	shalt  }
0x5c: {  	_ =	shalt  }
0x5d: {  	_ =	shalt  }
0x5e: {  	_ =	shalt  }
0x5f: {  	_ =	shalt  }
0x60: {  	_ =	shalt  }
0x61: {  	_ =	shalt  }
0x62: {  	_ =	shalt  }
0x63: {  	_ =	shalt  }
0x64: {  	_ =	shalt  }
0x65: {  	_ =	shalt  }
0x66: {  	_ =	shalt  }
0x67: {  	_ =	shalt  }
0x68: {  	_ =	shalt  }
0x69: {  	_ =	shalt  }
0x6a: {  	_ =	shalt  }
0x6b: {  	_ =	shalt  }
0x6c: {  	_ =	shalt  }
0x6d: {  	_ =	shalt  }
0x6e: {  	_ =	shalt  }
0x6f: {  	_ =	shalt  }
0x70: {  	_ =	shalt  }
0x71: {  	_ =	shalt  }
0x72: {  	_ =	shalt  }
0x73: {  	_ =	shalt  }
0x74: {  	_ =	shalt  }
0x75: {  	_ =	shalt  }
0x76: {  	_ =	shalt  }
0x77: {  	_ =	shalt  }
0x78: {  	_ =	shalt  }
0x79: {  	_ =	shalt  }
0x7a: {  	_ =	shalt  }
0x7b: {  	_ =	shalt  }
0x7c: {  	_ =	shalt  }
0x7d: {  	_ =	shalt  }
0x7e: {  	_ =	shalt  }
0x7f: {  	_ =	shalt  }
0x80: {  	_ =	shalt  }
0x81: {  	_ =	shalt  }
0x82: {  	_ =	shalt  }
0x83: {  	_ =	shalt  }
0x84: {  	_ =	shalt  }
0x85: {  	_ =	shalt  }
0x86: {  	_ =	shalt  }
0x87: {  	_ =	shalt  }
.Lfunc_end0:
.L_simem_size_0:
called_computation_lowered:
.L_overlay_start_0:
0x88: {  	s2 =	sld [smem:$0x3FD9]  }
0x89: {  	s3 =	sld [smem:$0x3FFE];
	_ =	sdelay $0x1  }
0x8a: {  	s1 =	srdreg.scid  }
0x8b: {  	s0 =	sand.u32 $0x1, s1  }
0x8c: {  	s14 =	sshll.u32 s0, $0xA;
	s2 =	sadd.s32 s3, s2  }
0x8d: {  	s2 =	sadd.s32 s2, s14  }
0x8e: {  	[smem:$0x3FC5] =	sst s2  }
0x8f: {  	_ = 	snop  }
0x90: {  	s2 =	sld [smem:$0x3FD0];
	_ =	sdelay $0x2  }
0x91: {  	s4 =	simm.s32 $0xA;
	s5 =	simm.s32 $0x10;
	s15 =	sld [smem:$0x3FC8]  }
0x92: {  	[smem:s5], [sflag:s4] =	dma.local [hbm:s2], $0x1  }
0x93: {  	_ =	swait.eq [sflag:s4], $0x1  }
0x94: {  	[sflag:s4] =	ssyncset.done $0x0  }
0x95: {  	[sflag:s4] =	ssyncadd.s32 $0xFFFFFFFF  }
0x96: {  	s16 =	sld [smem:$0x10];
	(tm) =	ssettm $0x1  }
0x97: {  	s17 =	sld [smem:$0x3FFB];
	_ =	sdelay $0x3  }
0x98: {  	_ =	strace s17  }
0x99: {  	s4 =	sld [smem:$0x3FFC];
	_ =	sdelay $0x3  }
0x9a: {  	_ =	strace s4  }
0x9b: {  	s4 =	sld [smem:$0x3FFD];
	_ =	sdelay $0x3  }
0x9c: {  	_ =	strace s4  }
0x9d: {  	_ =	strace $0x8FFFFFFF  }
0x9e: {  	s18 =	sld [smem:$0x3FDB];
	_ =	sdelay $0x1  }
0x9f: {  	s19 =	simm.s32 $_scs_section_size  }
0xa0: {  	s6 =	simm.s32 $_size__tile_overlayer_lowered;
	s7 =	simm.s32 $_tile_overlayer_lowered  }
0xa1: {  	s22 =	simm.s32 $0x1BFF;
	s21 =	sshll.u32 s7, $0x1;
	s4 =	sadd.s32 s19, s18  }
0xa2: {  	s8 =	simm.s32 $0x0;
	s20 =	sshll.u32 s6, $0x1;
	s6 =	sadd.s32 s21, s4  }
0xa3: {  	[timem:s8], [sflag:s22] =	dma.local [hbm:s6], s20  }
0xa4: {  	_ =	swait.ge [sflag:s22], s20  }
0xa5: {  	s5 =	ssub.s32 $0x0, s20;
	[sflag:s22] =	ssyncset.done $0x0  }
0xa6: {  	[sflag:s22] =	ssyncadd.s32 s5;
	_ =	sdelay $0x1  }
0xa7: {  	s23 =	simm.s32 $0x1B8B  }
0xa8: {  	_ =	swait.ge [sflag:s23], $0x1  }
0xa9: {  	[sflag:s23] =	ssyncset.done $0x0  }
0xaa: {  	s25 =	simm.s32 $0x1B8E;
	s24 =	sld [smem:$0x3FFE];
	[sflag:s23] =	ssyncadd.s32 $0xFFFFFFFF  }
0xab: {  	s26 =	simm.s32 $execute0_lowered;
	[smem:$0x3FD2] =	sst s25  }
0xac: {  	s6 =	sshll.u32 s26, $0x1;
	_ =	strace $0x80000046;
	[dreg:$0x1] =	wrdreg $0xFFFFFFFF  }
0xad: {  	s28 =	simm.s32 $_size_execute0_lowered;
	s4 =	sadd.s32 s4, s6;
	[dreg:$0x0] =	wrdreg $0x0  }
0xae: {  	s6 =	sshll.u32 s28, $0x1;
	[dreg:$0x2] =	wrdreg s4  }
0xaf: {  	[dreg:$0x3] =	wrdreg s6  }
0xb0: {  	[dreg:$0x4] =	wrdreg $0xC0  }
0xb1: {  	_ =	task [dreg:s8], $0x5FFFF  }
0xb2: {  	[dreg:$0x1] =	wrdreg $0xFFFFFFFF  }
0xb3: {  	[dreg:$0x0] =	wrdreg $0x60  }
0xb4: {  	[dreg:$0x2] =	wrdreg s15  }
0xb5: {  	[dreg:$0x3] =	wrdreg s24  }
0xb6: {  	[dreg:$0x4] =	wrdreg s16  }
0xb7: {  	[dreg:$0x5] =	wrdreg $0x9  }
0xb8: {  	_ =	task.clear_ibuf [dreg:s8], $0x6FFFF;
	_ =	strace $0x90000046  }
0xb9: {  	s29 =	simm.s32 $0x9;
	_ =	strace $0x80000048  }
0xba: {  	_ =	swait.ge [sflag:s29], $0x1  }
0xbb: {  	[sflag:s29] =	ssyncadd.s32 $0xFFFFFFFF  }
0xbc: {  	_ =	strace $0x90000048  }
0xbd: {  	_ =	sfence  }
0xbe: {  	s30 =	sld [smem:$0x0];
	_ =	sdelay $0x2  }
0xbf: {  	s31 =	sshll.u32 s1, $0xD;
	s1 =	sshrl.u32 s1, $0x2  }
0xc0: {  	s3 =	sand.u32 $0x4000, s31;
	s1 =	sadd.s32 s1, s30  }
0xc1: {  	s0 =	sor.u32 s3, s0;
	s1 =	sshll.u32 s1, $0x11  }
0xc2: {  	s0 =	sor.u32 s1, s0  }
0xc3: {  	s0 =	sadd.s32 $0x8F2B, s0  }
0xc4: {  	[sflag:s0] =	ssyncadd.remote.s32 $0x1  }
0xc5: {  	_ =	sfence.sel $0xFFFF  }
0xc6: {  	[dreg:$0x0] =	wrdreg $0xFFFFFFFF;
	(pc) =	sbr.abs _section_cstart, $3  }
0xc7: {  	[dreg:$0x1] =	wrdreg $0xFFFFFFFF  }
0xc8: {  	_ =	task.clear_ibuf [dreg:s8], $0x2FFFF;
	_ =	strace $0x9FFFFFFF  }
0xc9: {  	(tm) =	ssettm $0x7FFFFFFF  }
tec
execute0_lowered:
.L_overlay_start_1:
0x0: {  	(tag) =	ssettag $0x1  }
0x1: {  	s1 =	rddreg [dreg:$0x0]  }
0x2: {  	s2 =	rddreg [dreg:$0x1]  }
0x3: {  	s3 =	srdreg.scid;
	s0 =	stileid.u32  }
0x4: {  	s11 =	rddreg [dreg:$0x2];
	s14 =	simm.s32 $0x6400;
	s15 =	simm.s32 $0xA400  }
0x5: {  	s17 =	simm.s32 $0xE400;
	s18 =	simm.s32 $0x180;
	s19 =	simm.s32 $0x12400  }
0x6: {  	s20 =	simm.s32 $0x1;
	s21 =	simm.s32 $0x2;
	s10 =	smul.u32 $0x640000, s0  }
0x7: {  	s22 =	simm.s32 $0x3;
	s9 =	sand.u32 $0x1, s3;
	s30 =	smul.u32 $0xC8000, s0  }
0x8: {  	s28 =	simm.s32 $0x8;
	s4 =	sshll.u32 s0, $0x1;
	s12 =	smul.u32 $0x320000, s9  }
0x9: {  	s3 =	simm.s32 $0x0;
	s4 =	sor.u32 s9, s4;
	s13 =	smul.u32 $0x64000, s9  }
0xa: {  	s29 =	simm.s32 $0x0;
	[smem:$0x7FF] =	sst s3;
	s5 =	smul.u32 $0xC80, s4  }
0xb: {  	s6 =	ssub.s32 $0x2, s9;
	_ =	strace $0x80000047;
	s7 =	smul.u32 $0x320000, s4  }
0xc: {  	s23 =	sshrl.u32 s6, $0x1;
	s8 =	smul.u32 $0x64000, s4;
	s31 =	sadd.s32 s30, s11  }
0xd: {  	s10 =	sadd.s32 s12, s10;
	s12 =	simm.s32 $0x9;
	s2 =	sadd.s32 s5, s2  }
0xe: {  	s5 =	ssub.s32 s6, s23;
	s24 =	sshrl.u32 s7, $0x3;
	s26 =	sadd.s32 s11, s8  }
0xf: {  	s10 =	sshrl.u32 s10, $0x3;
	s23 =	simm.s32 $0x4;
	s4 =	sadd.s32 $0x400, s2  }
0x10: {  	s25 =	sadd.s32 s11, s24;
	s5 =	smax.u32 s5, $0x1;
	s7 =	sadd.s32 $0x62800, s26  }
0x11: {  	s8 =	sadd.s32 $0x63000, s26;
	s9 =	sadd.s32 $0x63800, s26;
	s10 =	sadd.s32 s10, s11  }
0x12: {  	s11 =	sadd.s32 s13, s31;
	s13 =	simm.s32 $0x80;
	s24 =	simm.s32 $0x5  }
0x13: {  	s26 =	simm.s32 $0x7;
	s6 =	sadd.s32 $0x62000, s25;
	s25 =	simm.s32 $0x6  }
.LBB2_1:
0x14: {  	[tilespmem:s3], [sflag:$0x9] =	stream.linear.gather [hbm4b:s4+s3], $0x6400, $0x38;
	[tilespmem:$0x16400] =	vst v63  }
0x15: {  	_ =	swait.ge [sflag:s12], $0x6400  }
0x16: {  	[sflag:s12] =	ssyncset.done $0x0  }
0x17: {  	[sflag:s12] =	ssyncadd.s32 $0xFFFF9C00  }
0x18: {  	[tilespmem:s14], [sflag:$0x1] =	stream.indirect.gather [hbm4b:s1+s13], $0x80, s3, s13, $0xb8;
	[tilespmem:$0x16400] =	vst v63  }
0x19: {  	_ = 	snop  }
0x1a: {  	[tilespmem:s15], [sflag:$0x2] =	stream.indirect.gather [hbm4b:s1+s13], $0x80, s13, s13, $0xb8;
	[tilespmem:$0x16400] =	vst v63  }
0x1b: {  	s0 =	simm.s32 $0x100  }
0x1c: {  	[tilespmem:s17], [sflag:$0x3] =	stream.indirect.gather [hbm4b:s1+s13], $0x80, s0, s13, $0xb8;
	[tilespmem:$0x16400] =	vst v63  }
0x1d: {  	_ = 	snop  }
0x1e: {  	[tilespmem:s19], [sflag:$0x4] =	stream.indirect.gather [hbm4b:s1+s13], $0x80, s18, s13, $0xb8;
	[tilespmem:$0x16400] =	vst v63  }
0x1f: {  	_ =	swait.ge [sflag:s20], $0x4000  }
0x20: {  	[sflag:s20] =	ssyncset.done $0x0  }
0x21: {  	s2 =	sadd.s32 $0x0, s10;
	[sflag:s20] =	ssyncadd.s32 $0xFFFFC000  }
0x22: {  	[hbm4b:s2+s3] =	stream.linear.scatter [tilespmem:s14], [sflag:$0x5], $0x4000, $0x38;
	[tilespmem:$0x16400] =	vst v63  }
0x23: {  	_ =	swait.ge [sflag:s21], $0x4000  }
0x24: {  	s0 =	sadd.s32 $0x0, s11;
	[sflag:s21] =	ssyncset.done $0x0  }
0x25: {  	s30 =	sadd.s32 $0x800, s0;
	[sflag:s21] =	ssyncadd.s32 $0xFFFFC000  }
0x26: {  	[hbm4b:s30+s3] =	stream.linear.scatter [tilespmem:s15], [sflag:$0x6], $0x4000, $0x38;
	[tilespmem:$0x16400] =	vst v63  }
0x27: {  	_ =	swait.ge [sflag:s22], $0x4000  }
0x28: {  	[sflag:s22] =	ssyncset.done $0x0  }
0x29: {  	s30 =	sadd.s32 $0x1000, s0;
	[sflag:s22] =	ssyncadd.s32 $0xFFFFC000  }
0x2a: {  	[hbm4b:s30+s3] =	stream.linear.scatter [tilespmem:s17], [sflag:$0x7], $0x4000, $0x38;
	[tilespmem:$0x16400] =	vst v63  }
0x2b: {  	_ =	swait.ge [sflag:s23], $0x4000  }
0x2c: {  	[sflag:s23] =	ssyncset.done $0x0  }
0x2d: {  	s2 =	sadd.s32 $0x1800, s0;
	[sflag:s23] =	ssyncadd.s32 $0xFFFFC000  }
0x2e: {  	[hbm4b:s2+s3] =	stream.linear.scatter [tilespmem:s19], [sflag:$0x8], $0x4000, $0x38;
	[tilespmem:$0x16400] =	vst v63  }
0x2f: {  	_ =	swait.ge [sflag:s24], $0x4000  }
0x30: {  	[sflag:s24] =	ssyncset.done $0x0  }
0x31: {  	s16 =	simm.s32 $0x200;
	[sflag:s24] =	ssyncadd.s32 $0xFFFFC000  }
0x32: {  	[tilespmem:s14], [sflag:$0x1] =	stream.indirect.gather [hbm4b:s1+s13], $0x80, s16, s13, $0xb8;
	[tilespmem:$0x16400] =	vst v63  }
0x33: {  	_ =	swait.ge [sflag:s25], $0x4000  }
0x34: {  	[sflag:s25] =	ssyncset.done $0x0  }
0x35: {  	s0 =	simm.s32 $0x280;
	[sflag:s25] =	ssyncadd.s32 $0xFFFFC000  }
0x36: {  	[tilespmem:s15], [sflag:$0x2] =	stream.indirect.gather [hbm4b:s1+s13], $0x80, s0, s13, $0xb8;
	[tilespmem:$0x16400] =	vst v63  }
0x37: {  	_ =	swait.ge [sflag:s26], $0x4000  }
0x38: {  	[sflag:s26] =	ssyncset.done $0x0  }
0x39: {  	s16 =	simm.s32 $0x300;
	[sflag:s26] =	ssyncadd.s32 $0xFFFFC000  }
0x3a: {  	[tilespmem:s17], [sflag:$0x3] =	stream.indirect.gather [hbm4b:s1+s13], $0x80, s16, s13, $0xb8;
	[tilespmem:$0x16400] =	vst v63  }
0x3b: {  	_ =	swait.ge [sflag:s28], $0x4000  }
0x3c: {  	s31 =	simm.s32 $0x2000;
	[sflag:s28] =	ssyncset.done $0x0  }
0x3d: {  	s30 =	simm.s32 $0x380;
	s2 =	simm.s32 $0x580;
	[sflag:s28] =	ssyncadd.s32 $0xFFFFC000  }
.LBB2_2:
0x3e: {  	[tilespmem:s19], [sflag:$0x4] =	stream.indirect.gather [hbm4b:s1+s13], $0x80, s30, s13, $0xb8;
	[tilespmem:$0x16400] =	vst v63  }
0x3f: {  	s0 =	smov.u32 s31;
	s30 =	smov.u32 s2  }
0x40: {  	p0 =	sne.s32 s31, $0x60000;
	s31 =	sadd.s32 $0x2000, s31;
	_ =	swait.ge [sflag:s20], $0x4000  }
0x41: {  	[sflag:s20] =	ssyncset.done $0x0  }
0x42: {  	s16 =	sadd.s32 s0, s10;
	[sflag:s20] =	ssyncadd.s32 $0xFFFFC000  }
0x43: {  	[hbm4b:s16+s3] =	stream.linear.scatter [tilespmem:s14], [sflag:$0x5], $0x4000, $0x38;
	[tilespmem:$0x16400] =	vst v63  }
0x44: {  	_ =	swait.ge [sflag:s21], $0x4000  }
0x45: {  	s0 =	sadd.s32 s0, s11;
	[sflag:s21] =	ssyncset.done $0x0  }
0x46: {  	s16 =	sadd.s32 $0x800, s0;
	[sflag:s21] =	ssyncadd.s32 $0xFFFFC000  }
0x47: {  	[hbm4b:s16+s3] =	stream.linear.scatter [tilespmem:s15], [sflag:$0x6], $0x4000, $0x38;
	[tilespmem:$0x16400] =	vst v63  }
0x48: {  	_ =	swait.ge [sflag:s22], $0x4000  }
0x49: {  	[sflag:s22] =	ssyncset.done $0x0  }
0x4a: {  	s16 =	sadd.s32 $0x1000, s0;
	[sflag:s22] =	ssyncadd.s32 $0xFFFFC000  }
0x4b: {  	[hbm4b:s16+s3] =	stream.linear.scatter [tilespmem:s17], [sflag:$0x7], $0x4000, $0x38;
	[tilespmem:$0x16400] =	vst v63  }
0x4c: {  	_ =	swait.ge [sflag:s23], $0x4000  }
0x4d: {  	[sflag:s23] =	ssyncset.done $0x0  }
0x4e: {  	s0 =	sadd.s32 $0x1800, s0;
	[sflag:s23] =	ssyncadd.s32 $0xFFFFC000  }
0x4f: {  	[hbm4b:s0+s3] =	stream.linear.scatter [tilespmem:s19], [sflag:$0x8], $0x4000, $0x38;
	[tilespmem:$0x16400] =	vst v63  }
0x50: {  	_ =	swait.ge [sflag:s24], $0x4000  }
0x51: {  	[sflag:s24] =	ssyncset.done $0x0  }
0x52: {  	s0 =	sadd.s32 $0xFFFFFE80, s2;
	[sflag:s24] =	ssyncadd.s32 $0xFFFFC000  }
0x53: {  	[tilespmem:s14], [sflag:$0x1] =	stream.indirect.gather [hbm4b:s1+s13], $0x80, s0, s13, $0xb8;
	[tilespmem:$0x16400] =	vst v63  }
0x54: {  	_ =	swait.ge [sflag:s25], $0x4000  }
0x55: {  	[sflag:s25] =	ssyncset.done $0x0  }
0x56: {  	s0 =	sadd.s32 $0xFFFFFF00, s2;
	[sflag:s25] =	ssyncadd.s32 $0xFFFFC000  }
0x57: {  	[tilespmem:s15], [sflag:$0x2] =	stream.indirect.gather [hbm4b:s1+s13], $0x80, s0, s13, $0xb8;
	[tilespmem:$0x16400] =	vst v63  }
0x58: {  	_ =	swait.ge [sflag:s26], $0x4000  }
0x59: {  	[sflag:s26] =	ssyncset.done $0x0  }
.Ltmp0:
0x5a: {  	s0 =	sadd.s32 $0xFFFFFF80, s2;
	[sflag:s26] =	ssyncadd.s32 $0xFFFFC000;
	(pc) =	sbr.rel @p0 .LBB2_2-.Ltmp0, $4  }
0x5b: {  	[tilespmem:s17], [sflag:$0x3] =	stream.indirect.gather [hbm4b:s1+s13], $0x80, s0, s13, $0xb8;
	[tilespmem:$0x16400] =	vst v63  }
0x5c: {  	_ =	swait.ge [sflag:s28], $0x4000  }
0x5d: {  	[sflag:s28] =	ssyncset.done $0x0  }
0x5e: {  	s2 =	sadd.s32 $0x200, s2;
	[sflag:s28] =	ssyncadd.s32 $0xFFFFC000  }
0x5f: {  	[tilespmem:s19], [sflag:$0x4] =	stream.indirect.gather [hbm4b:s1+s13], $0x80, s30, s13, $0xb8;
	[tilespmem:$0x16400] =	vst v63  }
0x60: {  	_ =	swait.ge [sflag:s20], $0x4000  }
0x61: {  	[sflag:s20] =	ssyncset.done $0x0  }
0x62: {  	[sflag:s20] =	ssyncadd.s32 $0xFFFFC000  }
0x63: {  	[hbm4b:s6+s3] =	stream.linear.scatter [tilespmem:s14], [sflag:$0x5], $0x4000, $0x38;
	[tilespmem:$0x16400] =	vst v63  }
0x64: {  	_ =	swait.ge [sflag:s21], $0x4000  }
0x65: {  	[sflag:s21] =	ssyncset.done $0x0  }
0x66: {  	[sflag:s21] =	ssyncadd.s32 $0xFFFFC000  }
0x67: {  	[hbm4b:s7+s3] =	stream.linear.scatter [tilespmem:s15], [sflag:$0x6], $0x4000, $0x38;
	[tilespmem:$0x16400] =	vst v63  }
0x68: {  	_ =	swait.ge [sflag:s22], $0x4000  }
0x69: {  	[sflag:s22] =	ssyncset.done $0x0  }
0x6a: {  	[sflag:s22] =	ssyncadd.s32 $0xFFFFC000  }
0x6b: {  	[hbm4b:s8+s3] =	stream.linear.scatter [tilespmem:s17], [sflag:$0x7], $0x4000, $0x38;
	[tilespmem:$0x16400] =	vst v63  }
0x6c: {  	_ =	swait.ge [sflag:s23], $0x4000  }
0x6d: {  	[sflag:s23] =	ssyncset.done $0x0  }
0x6e: {  	[sflag:s23] =	ssyncadd.s32 $0xFFFFC000  }
0x6f: {  	[hbm4b:s9+s3] =	stream.linear.scatter [tilespmem:s19], [sflag:$0x8], $0x4000, $0x38;
	[tilespmem:$0x16400] =	vst v63  }
0x70: {  	_ =	swait.ge [sflag:s24], $0x4000  }
0x71: {  	[sflag:s24] =	ssyncset.done $0x0  }
0x72: {  	[sflag:s24] =	ssyncadd.s32 $0xFFFFC000  }
0x73: {  	_ =	swait.ge [sflag:s25], $0x4000  }
0x74: {  	[sflag:s25] =	ssyncset.done $0x0  }
0x75: {  	s29 =	sadd.s32 $0x1, s29;
	[sflag:s25] =	ssyncadd.s32 $0xFFFFC000  }
0x76: {  	p0 =	sne.s32 s29, s5;
	_ =	swait.ge [sflag:s26], $0x4000  }
.Ltmp1:
0x77: {  	[sflag:s26] =	ssyncset.done $0x0;
	(pc) =	sbr.rel @p0 .LBB2_1-.Ltmp1, $4  }
0x78: {  	[sflag:s26] =	ssyncadd.s32 $0xFFFFC000  }
0x79: {  	_ =	swait.ge [sflag:s28], $0x4000  }
0x7a: {  	[sflag:s28] =	ssyncset.done $0x0  }
0x7b: {  	[sflag:s28] =	ssyncadd.s32 $0xFFFFC000  }
0x7c: {  	_ =	sfence.sel $0x180000  }
0x7d: {  	[bflag:$0x0] =	sbarrier.arrive $0xFFFF  }
0x7e: {  	_ =	strace $0x90000047  }
0x7f: {  	s0 =	stileid.u32;
	[bflag:$0x2] =	sbarrier.arrive $0xFFFF  }
0x80: {  	p0 =	sne.s32 s0, $0x0;
	s0 =	rddreg [dreg:$0x3]  }
0x81: {  	s0 =	sadd.s32 @!p0 $0x100000, s0  }
0x82: {  	[sflag:s0] =	ssyncadd.tile.s32 @!p0 $0x1;
	_ =	shalt  }
.Lfunc_end2:
_tile_overlayer_lowered:
.L_overlay_start_2:
0x83: {  	(tag) =	ssettag $0x2  }
0x84: {  	s0 =	rddreg [dreg:$0x0];
	s2 =	stileid.u32  }
0x85: {  	s1 =	rddreg [dreg:$0x1];
	p0 =	sne.s32 s2, $0x0  }
0x86: {  	s3 =	rddreg [dreg:$0x2];
	[bflag:$0x3] =	sbarrier.arrive $0xFFFF;
	s2 =	simm.s32 @!p0 $0x1C09  }
0x87: {  	[timem:s3], [sflag:s2] =	dma.local @!p0 [hbm:s0], s1  }
0x88: {  	s0 =	simm.s32 @!p0 $0x9  }
0x89: {  	_ =	swait.ge @!p0 [sflag:s0], s1  }
0x8a: {  	s1 =	ssub.s32 @!p0 $0x0, s1;
	[sflag:s0] =	ssyncset.done @!p0 $0x0  }
0x8b: {  	[sflag:s0] =	ssyncadd.s32 @!p0 s1  }
0x8c: {  	[bflag:$0x3] =	sbarrier.arrive $0xFFFF  }
0x8d: {  	_ =	shalt  }

</sc_bundles>
